<compile_context>
chip_gen: v7x
topology: tpu7x:2x2x1
jax: 0.10.2.dev20260603
libtpu: 0.0.44.dev20260713+nightly
codegen_flags: <defaults>
</compile_context>

<pallas_src>
import functools

import jax
import jax.numpy as jnp
from jax import lax
from jax.experimental import pallas as pl
from jax.experimental.pallas import tpu as pltpu
from jax.experimental.pallas import tpu_sc as plsc

_NC, _NS = 2, 16
_NW = _NC * _NS


def _make_gather(rows, n, h):
    b_per_w = rows // _NS
    mesh = plsc.VectorSubcoreMesh(core_axis_name="c", subcore_axis_name="s",
                                  num_cores=1)

    @functools.partial(
        pl.kernel,
        mesh=mesh,
        out_type=jax.ShapeDtypeStruct((rows, h), jnp.float32),
        scratch_types=[
            pltpu.VMEM((b_per_w,), jnp.int32),
            pltpu.VMEM((b_per_w, h), jnp.float32),
            pltpu.SemaphoreType.DMA,
        ],
    )
    def gather_rows(table_hbm, idx_hbm, out_hbm, idx_v, rows_v, sem):
        wid = lax.axis_index("s")
        base = wid * b_per_w
        pltpu.sync_copy(idx_hbm.at[pl.ds(base, b_per_w)], idx_v)
        for c in range(b_per_w // 16):
            sl = pl.ds(c * 16, 16)
            idx_v[sl] = (idx_v[sl]
                         + (base + c * 16 + lax.iota(jnp.int32, 16)) * n)
        pltpu.async_copy(table_hbm.at[idx_v], rows_v, sem).wait()
        pltpu.sync_copy(rows_v, out_hbm.at[pl.ds(base, b_per_w)])

    return gather_rows


def _mlp_body(pair_ref, w1_ref, b1_ref, w2_ref, b2_ref, out_ref, *, out_dim):
    hidden = jnp.maximum(
        jnp.dot(pair_ref[...], w1_ref[...],
                preferred_element_type=jnp.float32) + b1_ref[...], 0.0)
    logits = jnp.dot(hidden, w2_ref[...],
                     preferred_element_type=jnp.float32) + b2_ref[...]
    valid = lax.broadcasted_iota(jnp.int32, logits.shape, 1) < out_dim
    masked = jnp.where(valid, logits, -jnp.inf)
    m = jnp.max(masked, axis=1, keepdims=True)
    e = jnp.where(valid, jnp.exp(masked - m), 0.0)
    probs = e / jnp.sum(e, axis=1, keepdims=True)
    b, n1, _ = out_ref.shape
    n = n1 + 1
    probs4 = probs.reshape(b, n, 128)
    out_ref[...] = probs4[:, 1:, :out_dim]


def kernel(directed_graph_encodings, previous_ids, W1, b1, W2, b2):
    b, n, _, h = directed_graph_encodings.shape
    out_dim = W2.shape[1]
    rows = b * n
    table = directed_graph_encodings.reshape(rows * n, h)
    idx = previous_ids.reshape(rows).astype(jnp.int32)
    pair = _make_gather(rows, n, h)(table, idx)
    w2p = jnp.pad(W2, ((0, 0), (0, 128 - out_dim)))
    b2p = jnp.pad(b2, (0, 128 - out_dim)).reshape(1, 128)
    return pl.pallas_call(
        functools.partial(_mlp_body, out_dim=out_dim),
        out_shape=jax.ShapeDtypeStruct((b, n - 1, out_dim), jnp.float32),
    )(pair, W1, b1.reshape(1, h), w2p, b2p)

# --- scband reference (transcript-rebuilt; emitter-appended) ---
"""Pipeline reference for scband-graph-classifier-87660282511442 (READ-ONLY COPY).

The authoritative reference and input builder live on the scoring server;
editing this copy changes nothing except your own understanding.
"""

import jax, jax.numpy as jnp
import numpy as np

B, N, H, OUT = 8, 64, 1024, 3

def setup_inputs(seed: int = 0) -> dict:
    key = jax.random.key(seed)
    k1, k2, k3, k4, k5, k6 = jax.random.split(key, 6)
    dge = jax.random.normal(k1, (B, N, N, H), dtype=jnp.float32)
    previous_ids = jax.random.randint(k2, (B, N, 1), 0, N, dtype=jnp.int64)
    s1 = 1.0 / np.sqrt(H)
    W1 = jax.random.uniform(k3, (H, H), dtype=jnp.float32, minval=-s1, maxval=s1)
    b1 = jax.random.uniform(k4, (H,), dtype=jnp.float32, minval=-s1, maxval=s1)
    W2 = jax.random.uniform(k5, (H, OUT), dtype=jnp.float32, minval=-s1, maxval=s1)
    b2 = jax.random.uniform(k6, (OUT,), dtype=jnp.float32, minval=-s1, maxval=s1)
    return {"directed_graph_encodings": dge, "previous_ids": previous_ids, "W1": W1, "b1": b1, "W2": W2, "b2": b2}

def reference(directed_graph_encodings, previous_ids, W1, b1, W2, b2):
    # gather pair encodings: pair[b, j] = dge[b, j, previous_ids[b, j, 0]]
    idx = previous_ids[..., 0]  # [B, N]
    pair = jnp.take_along_axis(directed_graph_encodings, idx[:, :, None, None], axis=2)[:, :, 0, :]  # [B, N, H]
    h = jnp.maximum(pair @ W1 + b1, 0.0)
    logits = h @ W2 + b2  # [B, N, 3]
    logits = logits[:, 1:, :]
    previous_relation_scores = jax.nn.softmax(logits, axis=2)
    return previous_relation_scores

if __name__ == "__main__":
    import jax
    _d = setup_inputs()
    print(jax.jit(kernel)(*tuple(_d.values())))

</pallas_src>

<mosaic_0001>
#map = affine_map<(d0, d1) -> (0, 0)>
#map1 = affine_map<(d0, d1) -> (0)>
module attributes {stable_mosaic.version = 14 : i64} {
  func.func @gather_rows(%arg0: i32, %arg1: i32, %arg2: memref<32768x1024xf32, #tpu.memory_space<hbm>>, %arg3: memref<512xi32, #tpu.memory_space<hbm>>, %arg4: memref<512x1024xf32, #tpu.memory_space<hbm>>, %arg5: memref<32xi32, #tpu.memory_space<vmem>>, %arg6: memref<32x1024xf32, #tpu.memory_space<vmem>>, %arg7: memref<!tpu.dma_semaphore, #tpu.memory_space<semaphore_mem>>) attributes {dimension_semantics = [#tpu.dimension_semantics<core_parallel>, #tpu.dimension_semantics<subcore_parallel>], iteration_bounds = array<i64: 1, 16>, scalar_prefetch = 0 : i64, scratch_operands = 3 : i64, tpu.core_type = #tpu.core_type<sc_vector_subcore>, window_params = [{transform_indices = #map}, {transform_indices = #map1}, {transform_indices = #map}]} {
    %mul3A = arith.constant 32 : i32
    %mul3A_0 = arith.muli %arg1, %mul3A : i32
    "tpu.region"() ({
      %run_scoped3A = tpu.sem_alloc : memref<!tpu.dma_semaphore, #tpu.memory_space<semaphore_mem>>
      %dma_start3A_33 = tpu.memref_slice %arg3[%mul3A_0] : memref<512xi32, #tpu.memory_space<hbm>> -> memref<32xi32, #tpu.memory_space<hbm>>
      %dma_start3A_34 = tpu.memref_slice %arg3[%mul3A_0] : memref<512xi32, #tpu.memory_space<hbm>> -> memref<32xi32, #tpu.memory_space<hbm>>
      tpu.enqueue_dma source(%dma_start3A_34 : memref<32xi32, #tpu.memory_space<hbm>>) target(%arg5 : memref<32xi32, #tpu.memory_space<vmem>>) target_semaphore(%run_scoped3A : memref<!tpu.dma_semaphore, #tpu.memory_space<semaphore_mem>>)
      %dma_wait3A_35 = tpu.memref_slice %arg3[%mul3A_0] : memref<512xi32, #tpu.memory_space<hbm>> -> memref<32xi32, #tpu.memory_space<hbm>>
      %dma_wait3A_36 = tpu.memref_slice %arg3[%mul3A_0] : memref<512xi32, #tpu.memory_space<hbm>> -> memref<32xi32, #tpu.memory_space<hbm>>
      tpu.wait_dma2 semaphore(%run_scoped3A : memref<!tpu.dma_semaphore, #tpu.memory_space<semaphore_mem>>) src(%dma_wait3A_36 : memref<32xi32, #tpu.memory_space<hbm>>) dst(%arg5 : memref<32xi32, #tpu.memory_space<vmem>>)
      tpu.yield
    }) : () -> ()
    %get3A = arith.constant 0 : index
    %get3A_1 = tpu.vector_load %arg5[%get3A] {strides = array<i32>} : memref<32xi32, #tpu.memory_space<vmem>>, vector<16xi32>,
    %get3A_2 = vector.shape_cast %get3A_1 : vector<16xi32> to vector<16xi32>
    %add3A = arith.constant 0 : i32
    %add3A_3 = arith.addi %mul3A_0, %add3A : i32
    %iota3A = tpu.iota {dimensions = array<i32: 0>} : vector<16xi32>
    %add3A_4 = vector.broadcast %add3A_3 : i32 to vector<16xi32>
    %add3A_5 = arith.addi %add3A_4, %iota3A : vector<16xi32>
    %mul3A_6 = arith.constant 64 : i32
    %mul3A_7 = vector.broadcast %mul3A_6 : i32 to vector<16xi32>
    %mul3A_8 = arith.muli %add3A_5, %mul3A_7 : vector<16xi32>
    %add3A_9 = arith.addi %get3A_2, %mul3A_8 : vector<16xi32>
    %swap3A = arith.constant 0 : index
    %swap3A_10 = tpu.vector_load %arg5[%swap3A] {strides = array<i32>} : memref<32xi32, #tpu.memory_space<vmem>>, vector<16xi32>,
    %swap3A_11 = vector.shape_cast %swap3A_10 : vector<16xi32> to vector<16xi32>
    %swap3A_12 = vector.shape_cast %add3A_9 : vector<16xi32> to vector<16xi32>
    tpu.vector_store %arg5[%swap3A], %swap3A_12 {strides = array<i32>} : memref<32xi32, #tpu.memory_space<vmem>>, vector<16xi32>,
    %get3A_13 = arith.constant 16 : index
    %get3A_14 = tpu.vector_load %arg5[%get3A_13] {strides = array<i32>} : memref<32xi32, #tpu.memory_space<vmem>>, vector<16xi32>,
    %get3A_15 = vector.shape_cast %get3A_14 : vector<16xi32> to vector<16xi32>
    %add3A_16 = arith.constant 16 : i32
    %add3A_17 = arith.addi %mul3A_0, %add3A_16 : i32
    %iota3A_18 = tpu.iota {dimensions = array<i32: 0>} : vector<16xi32>
    %add3A_19 = vector.broadcast %add3A_17 : i32 to vector<16xi32>
    %add3A_20 = arith.addi %add3A_19, %iota3A_18 : vector<16xi32>
    %mul3A_21 = arith.constant 64 : i32
    %mul3A_22 = vector.broadcast %mul3A_21 : i32 to vector<16xi32>
    %mul3A_23 = arith.muli %add3A_20, %mul3A_22 : vector<16xi32>
    %add3A_24 = arith.addi %get3A_15, %mul3A_23 : vector<16xi32>
    %swap3A_25 = arith.constant 16 : index
    %swap3A_26 = tpu.vector_load %arg5[%swap3A_25] {strides = array<i32>} : memref<32xi32, #tpu.memory_space<vmem>>, vector<16xi32>,
    %swap3A_27 = vector.shape_cast %swap3A_26 : vector<16xi32> to vector<16xi32>
    %swap3A_28 = vector.shape_cast %add3A_24 : vector<16xi32> to vector<16xi32>
    tpu.vector_store %arg5[%swap3A_25], %swap3A_28 {strides = array<i32>} : memref<32xi32, #tpu.memory_space<vmem>>, vector<16xi32>,
    %dma_start3A = arith.constant 0 : i32
    %dma_start3A_29 = arith.constant 0 : i32
    %dma_start3A_30 = tpu.memref_slice %arg2[%dma_start3A, %dma_start3A_29] : memref<32768x1024xf32, #tpu.memory_space<hbm>> -> memref<32768x1024xf32, #tpu.memory_space<hbm>>
    tpu.enqueue_indirect_dma source(%dma_start3A_30 : memref<32768x1024xf32, #tpu.memory_space<hbm>>) target(%arg6 : memref<32x1024xf32, #tpu.memory_space<vmem>>) offsets(%arg5 : memref<32xi32, #tpu.memory_space<vmem>>) semaphore(%arg7 : memref<!tpu.dma_semaphore, #tpu.memory_space<semaphore_mem>>)
    %dma_wait3A = arith.constant 0 : i32
    %dma_wait3A_31 = arith.constant 0 : i32
    %dma_wait3A_32 = tpu.memref_slice %arg2[%dma_wait3A, %dma_wait3A_31] : memref<32768x1024xf32, #tpu.memory_space<hbm>> -> memref<32768x1024xf32, #tpu.memory_space<hbm>>
    tpu.wait_indirect_dma semaphore(%arg7 : memref<!tpu.dma_semaphore, #tpu.memory_space<semaphore_mem>>) src(%dma_wait3A_32 : memref<32768x1024xf32, #tpu.memory_space<hbm>>) dst(%arg6 : memref<32x1024xf32, #tpu.memory_space<vmem>>)
    "tpu.region"() ({
      %run_scoped3A = tpu.sem_alloc : memref<!tpu.dma_semaphore, #tpu.memory_space<semaphore_mem>>
      %dma_start3A_33 = arith.constant 0 : i32
      %dma_start3A_34 = tpu.memref_slice %arg4[%mul3A_0, %dma_start3A_33] : memref<512x1024xf32, #tpu.memory_space<hbm>> -> memref<32x1024xf32, #tpu.memory_space<hbm>>
      %dma_start3A_35 = arith.constant 0 : i32
      %dma_start3A_36 = tpu.memref_slice %arg4[%mul3A_0, %dma_start3A_35] : memref<512x1024xf32, #tpu.memory_space<hbm>> -> memref<32x1024xf32, #tpu.memory_space<hbm>>
      tpu.enqueue_dma source(%arg6 : memref<32x1024xf32, #tpu.memory_space<vmem>>) target(%dma_start3A_36 : memref<32x1024xf32, #tpu.memory_space<hbm>>) target_semaphore(%run_scoped3A : memref<!tpu.dma_semaphore, #tpu.memory_space<semaphore_mem>>)
      %dma_wait3A_37 = arith.constant 0 : i32
      %dma_wait3A_38 = tpu.memref_slice %arg4[%mul3A_0, %dma_wait3A_37] : memref<512x1024xf32, #tpu.memory_space<hbm>> -> memref<32x1024xf32, #tpu.memory_space<hbm>>
      %dma_wait3A_39 = arith.constant 0 : i32
      %dma_wait3A_40 = tpu.memref_slice %arg4[%mul3A_0, %dma_wait3A_39] : memref<512x1024xf32, #tpu.memory_space<hbm>> -> memref<32x1024xf32, #tpu.memory_space<hbm>>
      tpu.wait_dma2 semaphore(%run_scoped3A : memref<!tpu.dma_semaphore, #tpu.memory_space<semaphore_mem>>) src(%arg6 : memref<32x1024xf32, #tpu.memory_space<vmem>>) dst(%dma_wait3A_40 : memref<32x1024xf32, #tpu.memory_space<hbm>>)
      tpu.yield
    }) : () -> ()
    return
  }
}

module attributes {stable_mosaic.version = 14 : i64} {
  func.func @_mlp_body(%arg0: memref<512x1024xf32, #tpu.memory_space<vmem>>, %arg1: memref<1024x1024xf32, #tpu.memory_space<vmem>>, %arg2: memref<1x1024xf32, #tpu.memory_space<vmem>>, %arg3: memref<1024x128xf32, #tpu.memory_space<vmem>>, %arg4: memref<1x128xf32, #tpu.memory_space<vmem>>, %arg5: memref<8x63x3xf32, #tpu.memory_space<vmem>>) attributes {dimension_semantics = [], scalar_prefetch = 0 : i64, scratch_operands = 0 : i64, tpu.core_type = #tpu.core_type<tc>} {
    %get3A = arith.constant 0 : index
    %get3A_0 = arith.constant 0 : index
    %get3A_1 = vector.load %arg0[%get3A, %get3A_0] : memref<512x1024xf32, #tpu.memory_space<vmem>>, vector<512x1024xf32>
    %get3A_2 = arith.constant 0 : index
    %get3A_3 = arith.constant 0 : index
    %get3A_4 = vector.load %arg1[%get3A_2, %get3A_3] : memref<1024x1024xf32, #tpu.memory_space<vmem>>, vector<1024x1024xf32>
    %dot_general3A = arith.constant dense<0.000000e+00> : vector<512x1024xf32>
    %dot_general3A_5 = tpu.matmul %get3A_1, %get3A_4, %dot_general3A {dimension_numbers = #tpu.dot_dimension_numbers<[1], [0], [0], [1], [0, 0, 1, 1], [], []>, transpose_lhs_hint = false} : vector<512x1024xf32>, vector<1024x1024xf32>, vector<512x1024xf32> -> vector<512x1024xf32>
    %get3A_6 = arith.constant 0 : index
    %get3A_7 = arith.constant 0 : index
    %get3A_8 = vector.load %arg2[%get3A_6, %get3A_7] : memref<1x1024xf32, #tpu.memory_space<vmem>>, vector<1x1024xf32>
    %add3A = vector.broadcast %get3A_8 : vector<1x1024xf32> to vector<512x1024xf32>
    %add3A_9 = arith.addf %dot_general3A_5, %add3A : vector<512x1024xf32>
    %max3A = arith.constant 0.000000e+00 : f32
    %max3A_10 = vector.broadcast %max3A : f32 to vector<512x1024xf32>
    %max3A_11 = arith.maximumf %add3A_9, %max3A_10 : vector<512x1024xf32>
    %get3A_12 = arith.constant 0 : index
    %get3A_13 = arith.constant 0 : index
    %get3A_14 = vector.load %arg3[%get3A_12, %get3A_13] : memref<1024x128xf32, #tpu.memory_space<vmem>>, vector<1024x128xf32>
    %dot_general3A_15 = arith.constant dense<0.000000e+00> : vector<512x128xf32>
    %dot_general3A_16 = tpu.matmul %max3A_11, %get3A_14, %dot_general3A_15 {dimension_numbers = #tpu.dot_dimension_numbers<[1], [0], [0], [1], [0, 0, 1, 1], [], []>, transpose_lhs_hint = false} : vector<512x1024xf32>, vector<1024x128xf32>, vector<512x128xf32> -> vector<512x128xf32>
    %get3A_17 = arith.constant 0 : index
    %get3A_18 = arith.constant 0 : index
    %get3A_19 = vector.load %arg4[%get3A_17, %get3A_18] : memref<1x128xf32, #tpu.memory_space<vmem>>, vector<1x128xf32>
    %add3A_20 = vector.broadcast %get3A_19 : vector<1x128xf32> to vector<512x128xf32>
    %add3A_21 = arith.addf %dot_general3A_16, %add3A_20 : vector<512x128xf32>
    %iota3A = tpu.iota {dimensions = array<i32: 1>} : vector<512x128xi32>
    %lt3A = arith.constant 3 : i32
    %lt3A_22 = vector.broadcast %lt3A : i32 to vector<512x128xi32>
    %lt3A_23 = arith.cmpi slt, %iota3A, %lt3A_22 : vector<512x128xi32>
    %jit3A = arith.constant 0xFF800000 : f32
    %broadcast_in_dim3A = vector.broadcast %jit3A : f32 to vector<512x128xf32>
    %select_n3A = arith.select %lt3A_23, %add3A_21, %broadcast_in_dim3A : vector<512x128xi1>, vector<512x128xf32>
    %reduce_max3A = arith.constant dense<0xFF800000> : vector<512xf32>
    %reduce_max3A_24 = vector.multi_reduction <maximumf>, %select_n3A, %reduce_max3A [1] : vector<512x128xf32> to vector<512xf32>
    %broadcast_in_dim3A_25 = vector.shape_cast %reduce_max3A_24 : vector<512xf32> to vector<512x1xf32>
    %sub3A = vector.broadcast %broadcast_in_dim3A_25 : vector<512x1xf32> to vector<512x128xf32>
    %sub3A_26 = arith.subf %select_n3A, %sub3A : vector<512x128xf32>
    %exp3A = math.exp %sub3A_26 : vector<512x128xf32>
    %jit3A_27 = arith.constant 0.000000e+00 : f32
    %broadcast_in_dim3A_28 = vector.broadcast %jit3A_27 : f32 to vector<512x128xf32>
    %select_n3A_29 = arith.select %lt3A_23, %exp3A, %broadcast_in_dim3A_28 : vector<512x128xi1>, vector<512x128xf32>
    %reduce_sum3A = arith.constant dense<0.000000e+00> : vector<512xf32>
    %reduce_sum3A_30 = vector.multi_reduction <add>, %select_n3A_29, %reduce_sum3A [1] : vector<512x128xf32> to vector<512xf32>
    %broadcast_in_dim3A_31 = vector.shape_cast %reduce_sum3A_30 : vector<512xf32> to vector<512x1xf32>
    %div3A = vector.broadcast %broadcast_in_dim3A_31 : vector<512x1xf32> to vector<512x128xf32>
    %div3A_32 = arith.divf %select_n3A_29, %div3A : vector<512x128xf32>
    %reshape3A = vector.shape_cast %div3A_32 : vector<512x128xf32> to vector<8x64x128xf32>
    %slice3A = vector.extract_strided_slice %reshape3A {offsets = [0, 1, 0], sizes = [8, 63, 3], strides = [1, 1, 1]} : vector<8x64x128xf32> to vector<8x63x3xf32>
    %swap3A = arith.constant 0 : index
    %swap3A_33 = arith.constant 0 : index
    %swap3A_34 = arith.constant 0 : index
    %swap3A_35 = vector.load %arg5[%swap3A, %swap3A_33, %swap3A_34] : memref<8x63x3xf32, #tpu.memory_space<vmem>>, vector<8x63x3xf32>
    tpu.vector_store %arg5[%swap3A, %swap3A_33, %swap3A_34], %slice3A {strides = array<i32>} : memref<8x63x3xf32, #tpu.memory_space<vmem>>, vector<8x63x3xf32>,
    return
  }
}

</mosaic_0001>

<sc_bundles>
// kernel: kernel.4.cloned.1.call-start
scs
__scs_entry_jumppad:
0x0: {  	(pc) =	sbr.rel $0x88, $3  }
0x1: {  	(tag) =	ssettag $0x0;
	lr =	simm.s32 $0x1  }
0x2: {  	[smem:$0x3F9B] =	sst lr;
	_ =	strace $0xD0000000  }
0x3: {  	_ = 	snop  }
0x4: {  	_ = 	snop  }
0x5: {  	_ = 	snop  }
0x6: {  	_ = 	snop  }
0x7: {  	_ = 	snop  }
__scs_overlays_trampoline_lowered:
0x8: {  	[smem:$0x3FAA] =	sst s0  }
0x9: {  	[smem:$0x3FAB] =	sst s1  }
0xa: {  	[smem:$0x3FAC] =	sst s2  }
0xb: {  	[smem:$0x3FAD] =	sst s3  }
0xc: {  	[smem:$0x3FAE] =	sst s4  }
0xd: {  	[smem:$0x3FAF] =	sst s5  }
0xe: {  	[smem:$0x3FB0] =	sst s6  }
0xf: {  	[smem:$0x3FB1] =	sst s7  }
0x10: {  	[smem:$0x3FB2] =	sst s8  }
0x11: {  	[smem:$0x3FB3] =	sst s9;
	s0 =	simm.s32 @!p0 $0x0  }
0x12: {  	s1 =	sld [smem:$0x3F99];
	s0 =	simm.s32 @p0 $0x1  }
0x13: {  	[smem:$0x3FB4] =	sst s0;
	s0 =	simm.s32 @!p1 $0x0  }
0x14: {  	s2 =	sld [smem:$0x3F98];
	s0 =	simm.s32 @p1 $0x1  }
0x15: {  	[smem:$0x3FB5] =	sst s0;
	s0 =	simm.s32 @!p2 $0x0  }
0x16: {  	s3 =	sld [smem:$0x3FDB];
	s0 =	simm.s32 @p2 $0x1  }
0x17: {  	s4 =	simm.s32 $0x1BF5;
	[smem:$0x3FB7] =	sst s0  }
0x18: {  	s0 =	sld [smem:$0x3F9A];
	_ =	swait.ge [sflag:s4], $0x0  }
0x19: {  	s7 =	sld [smem:$0x3F9B]  }
0x1a: {  	s8 =	sadd.s32 $0xFFFFE003, lr  }
0x1b: {  	s9 =	sadd.s32 $0xFFFFFEF7, lr;
	s5 =	simm.s32 $0xFFFFFFFF;
	p2 =	slt.u32 s8, $0xFFFFF086  }
0x1c: {  	p1 =	slt.u32 s9, $0xF7A;
	s5 =	simm.s32 @!p2 $0x0  }
0x1d: {  	s5 =	simm.s32 @p1 $0x1;
	p0 =	seq.s32 s7, s2  }
0x1e: {  	s7 =	smul.u32 @!p0 $0xF7A, s2;
	p2 =	seq.s32 @!p0 s5, $0x0  }
0x1f: {  	s9 =	smul.u32 $0xF7A, s1;
	s8 =	simm.s32 @!p0 $0x1BF5;
	p2 =	por !p2, p0  }
0x20: {  	[sflag:s8] =	ssyncset.s32 @!p0 $0xFFFFF086;
	s6 =	sadd.s32 @!p0 s3, s7;
	s7 =	simm.s32 @!p0 $0x108  }
0x21: {  	s3 =	sadd.s32 s3, s9;
	s6 =	sadd.s32 @!p0 $0x88, s6;
	s7 =	simm.s32 @p2 $0x1082  }
0x22: {  	[simem:s7], [sflag:s8] =	dma.local @!p0 [hbm:s6], $0xF7A  }
0x23: {  	s9 =	sor.u32 $0xD0000000, s2;
	s6 =	simm.s32 $0x108;
	_ =	swait.ge @!p0 [sflag:s8], $0x0  }
0x24: {  	s3 =	sadd.s32 $0x88, s3;
	s6 =	simm.s32 @!p1 $0x1082;
	[sflag:s4] =	ssyncset.s32 $0xFFFFF086  }
0x25: {  	[simem:s6], [sflag:s4] =	dma.local [hbm:s3], $0xF7A  }
0x26: {  	[smem:$0x3F9B] =	sst s1;
	(tag) =	ssettag s2;
	_ =	strace s9  }
0x27: {  	s1 =	sld [smem:$0x3FAB]  }
0x28: {  	s2 =	sld [smem:$0x3FAC]  }
0x29: {  	s4 =	sld [smem:$0x3FAE]  }
0x2a: {  	p0 =	seq.s32 s5, $0x0;
	s5 =	sld [smem:$0x3FAF]  }
0x2b: {  	s6 =	sld [smem:$0x3FB0]  }
0x2c: {  	s7 =	sld [smem:$0x3FB1]  }
0x2d: {  	s3 =	simm.s32 $0x108;
	s8 =	sld [smem:$0x3FB2]  }
0x2e: {  	s3 =	simm.s32 @!p0 $0x1082;
	s9 =	sld [smem:$0x3FB3]  }
0x2f: {  	lr =	sadd.s32 s0, s3;
	s0 =	sld [smem:$0x3FAA]  }
0x30: {  	s3 =	sld [smem:$0x3FAD]  }
0x31: {  	[smem:$0x3FB6] =	sst s10  }
0x32: {  	s10 =	sld [smem:$0x3FB4];
	_ =	sdelay $0x3  }
0x33: {  	p0 =	seq.s32 s10, $0x1;
	s10 =	sld [smem:$0x3FB6];
	_ =	sdelay $0x3  }
0x34: {  	[smem:$0x3FB6] =	sst s10  }
0x35: {  	s10 =	sld [smem:$0x3FB5];
	_ =	sdelay $0x3  }
0x36: {  	p1 =	seq.s32 s10, $0x1;
	s10 =	sld [smem:$0x3FB6];
	_ =	sdelay $0x3  }
0x37: {  	[smem:$0x3FB6] =	sst s10  }
0x38: {  	s10 =	sld [smem:$0x3FB7]  }
0x39: {  	_ = 	snop;
	(pc) =	sbr.ind lr, $3  }
0x3a: {  	_ = 	snop  }
0x3b: {  	_ = 	snop  }
0x3c: {  	p2 =	seq.s32 s10, $0x1;
	s10 =	sld [smem:$0x3FB6]  }
0x3d: {  	_ =	shalt  }
0x3e: {  	_ =	shalt  }
0x3f: {  	_ =	shalt  }
0x40: {  	_ =	shalt  }
0x41: {  	_ =	shalt  }
0x42: {  	_ =	shalt  }
0x43: {  	_ =	shalt  }
0x44: {  	_ =	shalt  }
0x45: {  	_ =	shalt  }
0x46: {  	_ =	shalt  }
0x47: {  	_ =	shalt  }
0x48: {  	_ =	shalt  }
0x49: {  	_ =	shalt  }
0x4a: {  	_ =	shalt  }
0x4b: {  	_ =	shalt  }
0x4c: {  	_ =	shalt  }
0x4d: {  	_ =	shalt  }
0x4e: {  	_ =	shalt  }
0x4f: {  	_ =	shalt  }
0x50: {  	_ =	shalt  }
0x51: {  	_ =	shalt  }
0x52: {  	_ =	shalt  }
0x53: {  	_ =	shalt  }
0x54: {  	_ =	shalt  }
0x55: {  	_ =	shalt  }
0x56: {  	_ =	shalt  }
0x57: {  	_ =	shalt  }
0x58: {  	_ =	shalt  }
0x59: {  	_ =	shalt  }
0x5a: {  	_ =	shalt  }
0x5b: {  	_ =	shalt  }
0x5c: {  	_ =	shalt  }
0x5d: {  	_ =	shalt  }
0x5e: {  	_ =	shalt  }
0x5f: {  	_ =	shalt  }
0x60: {  	_ =	shalt  }
0x61: {  	_ =	shalt  }
0x62: {  	_ =	shalt  }
0x63: {  	_ =	shalt  }
0x64: {  	_ =	shalt  }
0x65: {  	_ =	shalt  }
0x66: {  	_ =	shalt  }
0x67: {  	_ =	shalt  }
0x68: {  	_ =	shalt  }
0x69: {  	_ =	shalt  }
0x6a: {  	_ =	shalt  }
0x6b: {  	_ =	shalt  }
0x6c: {  	_ =	shalt  }
0x6d: {  	_ =	shalt  }
0x6e: {  	_ =	shalt  }
0x6f: {  	_ =	shalt  }
0x70: {  	_ =	shalt  }
0x71: {  	_ =	shalt  }
0x72: {  	_ =	shalt  }
0x73: {  	_ =	shalt  }
0x74: {  	_ =	shalt  }
0x75: {  	_ =	shalt  }
0x76: {  	_ =	shalt  }
0x77: {  	_ =	shalt  }
0x78: {  	_ =	shalt  }
0x79: {  	_ =	shalt  }
0x7a: {  	_ =	shalt  }
0x7b: {  	_ =	shalt  }
0x7c: {  	_ =	shalt  }
0x7d: {  	_ =	shalt  }
0x7e: {  	_ =	shalt  }
0x7f: {  	_ =	shalt  }
0x80: {  	_ =	shalt  }
0x81: {  	_ =	shalt  }
0x82: {  	_ =	shalt  }
0x83: {  	_ =	shalt  }
0x84: {  	_ =	shalt  }
0x85: {  	_ =	shalt  }
0x86: {  	_ =	shalt  }
0x87: {  	_ =	shalt  }
.Lfunc_end0:
.L_simem_size_0:
called_computation_lowered:
.L_overlay_start_0:
0x88: {  	s0 =	sld [smem:$0x3FD9]  }
0x89: {  	s1 =	sld [smem:$0x3FFE];
	_ =	sdelay $0x3  }
0x8a: {  	s0 =	sadd.s32 s1, s0  }
0x8b: {  	[smem:$0x3FC2] =	sst s0  }
0x8c: {  	_ = 	snop  }
0x8d: {  	s0 =	sld [smem:$0x3FC9]  }
0x8e: {  	s16 =	sld [smem:$0x3FD0];
	(tm) =	ssettm $0x1  }
0x8f: {  	s2 =	sld [smem:$0x3FFB];
	_ =	sdelay $0x3  }
0x90: {  	_ =	strace s2  }
0x91: {  	s2 =	sld [smem:$0x3FFC];
	_ =	sdelay $0x3  }
0x92: {  	_ =	strace s2  }
0x93: {  	s2 =	sld [smem:$0x3FFD];
	_ =	sdelay $0x3  }
0x94: {  	_ =	strace s2  }
0x95: {  	_ =	strace $0x8FFFFFFF  }
0x96: {  	s17 =	sld [smem:$0x3FDB];
	_ =	sdelay $0x1  }
0x97: {  	s3 =	simm.s32 $_scs_section_size  }
0x98: {  	s4 =	simm.s32 $_size__tile_overlayer_lowered;
	s5 =	simm.s32 $_tile_overlayer_lowered  }
0x99: {  	s20 =	simm.s32 $0x1BFF;
	s19 =	sshll.u32 s5, $0x1;
	s2 =	sadd.s32 s3, s17  }
0x9a: {  	s6 =	simm.s32 $0x0;
	s18 =	sshll.u32 s4, $0x1;
	s4 =	sadd.s32 s19, s2  }
0x9b: {  	[timem:s6], [sflag:s20] =	dma.local [hbm:s4], s18  }
0x9c: {  	_ =	swait.ge [sflag:s20], s18  }
0x9d: {  	s3 =	ssub.s32 $0x0, s18;
	[sflag:s20] =	ssyncset.done $0x0  }
0x9e: {  	[sflag:s20] =	ssyncadd.s32 s3;
	_ =	sdelay $0x1  }
0x9f: {  	s21 =	simm.s32 $0x1B8B  }
0xa0: {  	_ =	swait.ge [sflag:s21], $0x1  }
0xa1: {  	[sflag:s21] =	ssyncset.done $0x0  }
0xa2: {  	s23 =	simm.s32 $0x1B8E;
	s22 =	sld [smem:$0x3FFE];
	[sflag:s21] =	ssyncadd.s32 $0xFFFFFFFF  }
0xa3: {  	s24 =	simm.s32 $execute0_lowered;
	[smem:$0x3FD2] =	sst s23  }
0xa4: {  	s4 =	sshll.u32 s24, $0x1;
	_ =	strace $0x80000046;
	[dreg:$0x1] =	wrdreg $0xFFFFFFFF  }
0xa5: {  	s25 =	simm.s32 $_size_execute0_lowered;
	s2 =	sadd.s32 s2, s4;
	[dreg:$0x0] =	wrdreg $0x0  }
0xa6: {  	s4 =	sshll.u32 s25, $0x1;
	[dreg:$0x2] =	wrdreg s2  }
0xa7: {  	[dreg:$0x3] =	wrdreg s4  }
0xa8: {  	[dreg:$0x4] =	wrdreg $0xC0  }
0xa9: {  	_ =	task [dreg:s6], $0x5FFFF  }
0xaa: {  	[dreg:$0x1] =	wrdreg $0xFFFFFFFF  }
0xab: {  	[dreg:$0x0] =	wrdreg $0x60  }
0xac: {  	[dreg:$0x2] =	wrdreg s0  }
0xad: {  	[dreg:$0x3] =	wrdreg s16  }
0xae: {  	[dreg:$0x4] =	wrdreg s22  }
0xaf: {  	[dreg:$0x5] =	wrdreg $0x9  }
0xb0: {  	_ =	task.clear_ibuf [dreg:s6], $0x6FFFF;
	_ =	strace $0x90000046  }
0xb1: {  	s26 =	simm.s32 $0x9;
	_ =	strace $0x80000048  }
0xb2: {  	_ =	swait.ge [sflag:s26], $0x1  }
0xb3: {  	[sflag:s26] =	ssyncadd.s32 $0xFFFFFFFF  }
0xb4: {  	_ =	strace $0x90000048  }
0xb5: {  	_ =	sfence  }
0xb6: {  	s28 =	sld [smem:$0x0];
	_ =	sdelay $0x1  }
0xb7: {  	s29 =	srdreg.scid  }
0xb8: {  	s30 =	sshll.u32 s29, $0xD;
	s31 =	sshrl.u32 s29, $0x2  }
0xb9: {  	s1 =	sand.u32 $0x1, s29;
	s2 =	sand.u32 $0x4000, s30;
	s0 =	sadd.s32 s31, s28  }
0xba: {  	s1 =	sor.u32 s2, s1;
	s0 =	sshll.u32 s0, $0x11  }
0xbb: {  	s0 =	sor.u32 s0, s1  }
0xbc: {  	s0 =	sadd.s32 $0x8F2B, s0  }
0xbd: {  	[sflag:s0] =	ssyncadd.remote.s32 $0x1  }
0xbe: {  	_ =	sfence.sel $0xFFFF  }
0xbf: {  	[dreg:$0x0] =	wrdreg $0xFFFFFFFF;
	(pc) =	sbr.abs _section_cstart, $3  }
0xc0: {  	[dreg:$0x1] =	wrdreg $0xFFFFFFFF  }
0xc1: {  	_ =	task.clear_ibuf [dreg:s6], $0x2FFFF;
	_ =	strace $0x9FFFFFFF  }
0xc2: {  	(tm) =	ssettm $0x7FFFFFFF  }
0xc3: {  	_ =	shalt  }
tec
execute0_lowered:
.L_overlay_start_1:
0x0: {  	(tag) =	ssettag $0x1  }
0x1: {  	s5 =	rddreg [dreg:$0x0]  }
0x2: {  	s4 =	rddreg [dreg:$0x1]  }
0x3: {  	s3 =	rddreg [dreg:$0x2]  }
0x4: {  	s0 =	rddreg [dreg:$0x3];
	s2 =	simm.s32 $0x0;
	s1 =	stileid.u32  }
0x5: {  	[smem:$0x7FF] =	sst s2;
	s6 =	sshll.u32 s1, $0x2  }
0x6: {  	s12 =	simm.s32 $0x2;
	_ =	strace $0x80000047;
	s4 =	sadd.s32 s4, s6  }
0x7: {  	[tilespmem:s2], [sflag:$0x2] =	stream.linear.gather [hbm4b:s4+s2], $0x20, $0x38;
	[tilespmem:$0x8080] =	vst v63  }
0x8: {  	_ =	swait.ge [sflag:s12], $0x20  }
0x9: {  	[sflag:s12] =	ssyncset.done $0x0  }
0xa: {  	[sflag:s12] =	ssyncadd.s32 $0xFFFFFFE0  }
0xb: {  	v0 =	vld [tilespmem:$0x0]  }
0xc: {  	v1 =	vlaneseq.u32;
	s13 =	sshll.u32 s1, $0x5  }
0xd: {  	v3 =	vmul.u32 $0x40, v1;
	v2 =	vmov s13  }
0xe: {  	v2 =	vshll.u32 v2, $0x6  }
0xf: {  	v2 =	vor.u32 v3, v2  }
0x10: {  	v2 =	vadd.s32 v2, v0  }
0x11: {  	v4 =	vshll.u32 v2, $0x3  }
0x12: {  	v0 =	vand.u32 $0x7, v0;
	v4 =	vand.u32 $0xFFFFFFC0, v4  }
0x13: {  	v61 =	vand.u32 $0x7, v1;
	v5 =	vshrl.u32 v1, $0x3;
	v0 =	vor.u32 v0, v4  }
0x14: {  	v5 =	vmul.u32 $0x8, v5;
	v6 =	vld [tilespmem:$0x10];
	v7 =	vperm.xlane v0, v61  }
0x15: {  	s6 =	sor.u32 $0x10, s13  }
0x16: {  	v8 =	vmov s6;
	v7 =	vadd.s32 v5, v7  }
0x17: {  	v8 =	vshll.u32 v8, $0x6  }
0x18: {  	v3 =	vor.u32 v3, v8  }
0x19: {  	v62 =	vadd.s32 v3, v6;
	[tilespmem:$0x0] =	vst v2  }
0x1a: {  	vm0 =	vmmov $0xffff;
	s14 =	simm.s32 $0x80;
	[tilespmem:$0x10] =	vst v62  }
0x1b: {  	v1 =	vor.u32 $0x8, v1;
	[tilespmem:s14], [sflag:$0x1] =	stream.indirect_vreg.gather [hbm4b:s5+s2], $0x80, v7, vm0, $0xb8;
	[tilespmem:$0x8080] =	vst v63  }
0x1c: {  	s8 =	simm.s32 $0x880;
	s7 =	sadd.s32 $0x100, s5;
	v0 =	vperm.xlane v0, v1  }
0x1d: {  	[tilespmem:s8], [sflag:$0x1] =	stream.indirect_vreg.gather [hbm4b:s7+s2], $0x80, v7, vm0, $0xb8;
	[tilespmem:$0x8080] =	vst v63  }
0x1e: {  	s9 =	simm.s32 $0x1080;
	s15 =	sadd.s32 $0x200, s5;
	v0 =	vadd.s32 v5, v0  }
0x1f: {  	[tilespmem:s9], [sflag:$0x1] =	stream.indirect_vreg.gather [hbm4b:s15+s2], $0x80, v7, vm0, $0xb8;
	[tilespmem:$0x8080] =	vst v63  }
0x20: {  	s10 =	simm.s32 $0x1880;
	s16 =	sadd.s32 $0x300, s5  }
0x21: {  	[tilespmem:s10], [sflag:$0x1] =	stream.indirect_vreg.gather [hbm4b:s16+s2], $0x80, v7, vm0, $0xb8;
	[tilespmem:$0x8080] =	vst v63  }
0x22: {  	s17 =	simm.s32 $0x2080  }
0x23: {  	[tilespmem:s17], [sflag:$0x1] =	stream.indirect_vreg.gather [hbm4b:s5+s2], $0x80, v0, vm0, $0xb8;
	[tilespmem:$0x8080] =	vst v63  }
0x24: {  	s18 =	simm.s32 $0x2880  }
0x25: {  	[tilespmem:s18], [sflag:$0x1] =	stream.indirect_vreg.gather [hbm4b:s7+s2], $0x80, v0, vm0, $0xb8;
	[tilespmem:$0x8080] =	vst v63  }
0x26: {  	s19 =	simm.s32 $0x3080  }
0x27: {  	[tilespmem:s19], [sflag:$0x1] =	stream.indirect_vreg.gather [hbm4b:s15+s2], $0x80, v0, vm0, $0xb8;
	[tilespmem:$0x8080] =	vst v63  }
0x28: {  	s20 =	simm.s32 $0x3880  }
0x29: {  	[tilespmem:s20], [sflag:$0x1] =	stream.indirect_vreg.gather [hbm4b:s16+s2], $0x80, v0, vm0, $0xb8;
	[tilespmem:$0x8080] =	vst v63  }
0x2a: {  	v0 =	vld [tilespmem:$0x10];
	_ =	sdelay $0x4  }
0x2b: {  	v63 =	vshll.u32 v0, $0x3  }
0x2c: {  	v0 =	vand.u32 $0x7, v0;
	v2 =	vand.u32 $0xFFFFFFC0, v63  }
0x2d: {  	v0 =	vor.u32 v0, v2  }
0x2e: {  	v2 =	vperm.xlane v0, v61;
	_ =	sdelay $0x1  }
0x2f: {  	v2 =	vadd.s32 v5, v2;
	_ =	sdelay $0x3  }
0x30: {  	s21 =	simm.s32 $0x4080  }
0x31: {  	[tilespmem:s21], [sflag:$0x1] =	stream.indirect_vreg.gather [hbm4b:s5+s2], $0x80, v2, vm0, $0xb8;
	[tilespmem:$0x8080] =	vst v63  }
0x32: {  	s22 =	simm.s32 $0x4880;
	v0 =	vperm.xlane v0, v1  }
0x33: {  	[tilespmem:s22], [sflag:$0x1] =	stream.indirect_vreg.gather [hbm4b:s7+s2], $0x80, v2, vm0, $0xb8;
	[tilespmem:$0x8080] =	vst v63  }
0x34: {  	s23 =	simm.s32 $0x5080;
	v0 =	vadd.s32 v5, v0  }
0x35: {  	[tilespmem:s23], [sflag:$0x1] =	stream.indirect_vreg.gather [hbm4b:s15+s2], $0x80, v2, vm0, $0xb8;
	[tilespmem:$0x8080] =	vst v63  }
0x36: {  	s24 =	simm.s32 $0x5880  }
0x37: {  	[tilespmem:s24], [sflag:$0x1] =	stream.indirect_vreg.gather [hbm4b:s16+s2], $0x80, v2, vm0, $0xb8;
	[tilespmem:$0x8080] =	vst v63  }
0x38: {  	s25 =	simm.s32 $0x6080  }
0x39: {  	[tilespmem:s25], [sflag:$0x1] =	stream.indirect_vreg.gather [hbm4b:s5+s2], $0x80, v0, vm0, $0xb8;
	[tilespmem:$0x8080] =	vst v63  }
0x3a: {  	s26 =	simm.s32 $0x6880  }
0x3b: {  	[tilespmem:s26], [sflag:$0x1] =	stream.indirect_vreg.gather [hbm4b:s7+s2], $0x80, v0, vm0, $0xb8;
	[tilespmem:$0x8080] =	vst v63  }
0x3c: {  	s28 =	simm.s32 $0x7080  }
0x3d: {  	[tilespmem:s28], [sflag:$0x1] =	stream.indirect_vreg.gather [hbm4b:s15+s2], $0x80, v0, vm0, $0xb8;
	[tilespmem:$0x8080] =	vst v63  }
0x3e: {  	s29 =	simm.s32 $0x7880;
	s30 =	simm.s32 $0x1  }
0x3f: {  	[tilespmem:s29], [sflag:$0x1] =	stream.indirect_vreg.gather [hbm4b:s16+s2], $0x80, v0, vm0, $0xb8;
	[tilespmem:$0x8080] =	vst v63  }
0x40: {  	s31 =	sshll.u32 s1, $0xC;
	_ =	swait.ge [sflag:s30], $0x8000  }
0x41: {  	s3 =	sadd.s32 s31, s3;
	[sflag:s30] =	ssyncset.done $0x0  }
0x42: {  	s3 =	sadd.s32 $0xA00, s3;
	[sflag:s30] =	ssyncadd.s32 $0xFFFF8000  }
0x43: {  	[hbm4b:s3+s2] =	stream.linear.scatter [tilespmem:s14], [sflag:$0x2], $0x8000, $0x38;
	[tilespmem:$0x8080] =	vst v63  }
0x44: {  	_ =	swait.ge [sflag:s12], $0x8000  }
0x45: {  	[sflag:s12] =	ssyncset.done $0x0  }
0x46: {  	[sflag:s12] =	ssyncadd.s32 $0xFFFF8000  }
0x47: {  	_ =	sfence.sel $0x180000  }
0x48: {  	[bflag:$0x0] =	sbarrier.arrive $0xFFFF  }
0x49: {  	p0 =	sne.s32 s1, $0x0;
	_ =	strace $0x90000047  }
0x4a: {  	s0 =	sadd.s32 @!p0 $0x100000, s0;
	[bflag:$0x2] =	sbarrier.arrive $0xFFFF  }
0x4b: {  	[sflag:s0] =	ssyncadd.tile.s32 @!p0 $0x1;
	_ =	shalt  }
.Lfunc_end2:
_tile_overlayer_lowered:
.L_overlay_start_2:
0x4c: {  	(tag) =	ssettag $0x2  }
0x4d: {  	s0 =	rddreg [dreg:$0x0];
	s2 =	stileid.u32  }
0x4e: {  	s1 =	rddreg [dreg:$0x1];
	p0 =	sne.s32 s2, $0x0  }
0x4f: {  	s3 =	rddreg [dreg:$0x2];
	[bflag:$0x3] =	sbarrier.arrive $0xFFFF;
	s2 =	simm.s32 @!p0 $0x1C02  }
0x50: {  	[timem:s3], [sflag:s2] =	dma.local @!p0 [hbm:s0], s1  }
0x51: {  	s0 =	simm.s32 @!p0 $0x2  }
0x52: {  	_ =	swait.ge @!p0 [sflag:s0], s1  }
0x53: {  	s1 =	ssub.s32 @!p0 $0x0, s1;
	[sflag:s0] =	ssyncset.done @!p0 $0x0  }
0x54: {  	[sflag:s0] =	ssyncadd.s32 @!p0 s1  }
0x55: {  	[bflag:$0x3] =	sbarrier.arrive $0xFFFF  }
0x56: {  	_ =	shalt  }

</sc_bundles>
